<compile_context>
chip_gen: v7x
topology: tpu7x:2x2x1
jax: 0.10.2.dev20260603
libtpu: 0.0.44.dev20260713+nightly
codegen_flags: <defaults>
</compile_context>

<pallas_src>
import functools

import jax
import jax.numpy as jnp
from jax import lax
from jax.experimental import pallas as pl
from jax.experimental.pallas import tpu as pltpu
from jax.experimental.pallas import tpu_sc as plsc

_N = 10000
_E = 320000
_D = 128
_NPAD = 10240
_NT = 32
_EPT = _E // _NT
_K = 80
_HW = 128

_mesh = plsc.VectorSubcoreMesh(core_axis_name="c", subcore_axis_name="s")


@functools.partial(
    pl.kernel,
    out_type=jax.ShapeDtypeStruct((2 * _NPAD, _HW), jnp.float32),
    mesh=_mesh,
    scratch_types=[
        pltpu.VMEM((_K,), jnp.int32),
        pltpu.VMEM((_K, _HW), jnp.float32),
        pltpu.VMEM_SHARED((_NPAD, _HW), jnp.float32),
    ],
)
def _hist_sc(dst_hbm, zz_hbm, ones_hbm, out_hbm, di_v, ones_v, acc_sh):
    c = lax.axis_index("c")
    s = lax.axis_index("s")
    wid = s * 2 + c
    base = wid * _EPT

    pltpu.sync_copy(ones_hbm, ones_v)

    @pl.when(s == 0)
    def _():
        pltpu.sync_copy(zz_hbm, acc_sh)

    plsc.subcore_barrier()

    def body(i, carry):
        off = base + i * _K
        pltpu.sync_copy(dst_hbm.at[pl.ds(off, _K)], di_v)
        pltpu.sync_copy(ones_v, acc_sh.at[di_v], add=True)
        return carry

    lax.fori_loop(0, _EPT // _K, body, 0)

    plsc.subcore_barrier()

    @pl.when(s == 0)
    def _():
        pltpu.sync_copy(acc_sh, out_hbm.at[pl.ds(c * _NPAD, _NPAD)])


def _mm_body(x_ref, w_ref, h_ref, o_ref):
    deg = h_ref[0] + h_ref[1] + 1.0
    dinv = lax.rsqrt(deg)
    h = jnp.dot(x_ref[...], w_ref[...], preferred_element_type=jnp.float32)
    o_ref[...] = h * dinv


_BR = 1000

_mm_call = pl.pallas_call(
    _mm_body,
    grid=(_N // _BR,),
    in_specs=[
        pl.BlockSpec((_BR, _D), lambda i: (i, 0)),
        pl.BlockSpec((_D, _D), lambda i: (0, 0)),
        pl.BlockSpec((2, _BR, 1), lambda i: (0, i, 0)),
    ],
    out_specs=pl.BlockSpec((_BR, _D), lambda i: (i, 0)),
    out_shape=jax.ShapeDtypeStruct((_N, _D), jnp.float32),
)


@functools.partial(
    pl.kernel,
    out_type=jax.ShapeDtypeStruct((2 * _NPAD, _D), jnp.float32),
    mesh=_mesh,
    scratch_types=[
        pltpu.VMEM((_K,), jnp.int32),
        pltpu.VMEM((_K,), jnp.int32),
        pltpu.VMEM((_K, _D), jnp.float32),
        pltpu.VMEM_SHARED((_NPAD, _D), jnp.float32),
        pltpu.SemaphoreType.DMA,
    ],
)
def _agg_sc(g_hbm, src_hbm, dst_hbm, zf_hbm, out_hbm, si_v, di_v, rows_v, acc_sh, sem):
    c = lax.axis_index("c")
    s = lax.axis_index("s")
    wid = s * 2 + c
    base = wid * _EPT

    @pl.when(s == 0)
    def _():
        pltpu.sync_copy(zf_hbm, acc_sh)

    plsc.subcore_barrier()

    def body(i, carry):
        off = base + i * _K
        pltpu.sync_copy(src_hbm.at[pl.ds(off, _K)], si_v)
        pltpu.async_copy(g_hbm.at[si_v], rows_v, sem).wait()
        pltpu.sync_copy(dst_hbm.at[pl.ds(off, _K)], di_v)
        pltpu.sync_copy(rows_v, acc_sh.at[di_v], add=True)
        return carry

    lax.fori_loop(0, _EPT // _K, body, 0)

    plsc.subcore_barrier()

    @pl.when(s == 0)
    def _():
        pltpu.sync_copy(acc_sh, out_hbm.at[pl.ds(c * _NPAD, _NPAD)])


def _fin_body(p_ref, g_ref, h_ref, b_ref, o_ref):
    deg = h_ref[0] + h_ref[1] + 1.0
    dinv = lax.rsqrt(deg)
    tot = (p_ref[0] + p_ref[1] + g_ref[...]) * dinv + b_ref[...]
    o_ref[...] = jnp.maximum(tot, 0.0)


_fin_call = pl.pallas_call(
    _fin_body,
    grid=(_N // _BR,),
    in_specs=[
        pl.BlockSpec((2, _BR, _D), lambda i: (0, i, 0)),
        pl.BlockSpec((_BR, _D), lambda i: (i, 0)),
        pl.BlockSpec((2, _BR, 1), lambda i: (0, i, 0)),
        pl.BlockSpec((1, _D), lambda i: (0, 0)),
    ],
    out_specs=pl.BlockSpec((_BR, _D), lambda i: (i, 0)),
    out_shape=jax.ShapeDtypeStruct((_N, _D), jnp.float32),
)


def kernel(x, edge_index, W1, b1, W2, b2):
    src = edge_index[0]
    dst = edge_index[1]
    w_sum = W1 + W2
    b_sum = (b1 + b2).reshape(1, _D)

    zf = jnp.zeros((_NPAD, _D), jnp.float32)
    zh = jnp.zeros((_NPAD, _HW), jnp.float32)
    ones_blk = jnp.ones((_K, _HW), jnp.float32)

    hist = _hist_sc(dst, zh, ones_blk)
    hist2 = hist.reshape(2, _NPAD, _HW)[:, :_N, :1]
    g = _mm_call(x, w_sum, hist2)
    part = _agg_sc(g, src, dst, zf)
    part2 = part.reshape(2, _NPAD, _D)[:, :_N]
    return _fin_call(part2, g, hist2, b_sum)

# --- scband reference (transcript-rebuilt; emitter-appended) ---
"""Pipeline reference for scband-diffusion-graph-conv-89936615178296 (READ-ONLY COPY).

The authoritative reference and input builder live on the scoring server;
editing this copy changes nothing except your own understanding.
"""

import jax, jax.numpy as jnp
import numpy as np

N = 10000
E = 320000
D_IN = 128
D_OUT = 128


def setup_inputs(seed: int = 0) -> dict:
    key = jax.random.key(seed)
    k1, k2, k3, k4, k5, k6 = jax.random.split(key, 6)
    x = jax.random.normal(k1, (N, D_IN), dtype=jnp.float32)
    edge_index = jax.random.randint(k2, (2, E), 0, N, dtype=jnp.int32)
    scale = 1.0 / np.sqrt(D_IN)
    W1 = jax.random.normal(k3, (D_IN, D_OUT), dtype=jnp.float32) * scale
    b1 = jnp.zeros((D_OUT,), dtype=jnp.float32)
    W2 = jax.random.normal(k4, (D_IN, D_OUT), dtype=jnp.float32) * scale
    b2 = jnp.zeros((D_OUT,), dtype=jnp.float32)
    return {"x": x, "edge_index": edge_index, "W1": W1, "b1": b1, "W2": W2, "b2": b2}


def _gcn_conv(x, edge_index, W, b, num_nodes):
    # PyG-style GCNConv: add self-loops, symmetric normalization, propagate, bias.
    src = edge_index[0]
    dst = edge_index[1]
    loop = jnp.arange(num_nodes, dtype=src.dtype)
    src = jnp.concatenate([src, loop])
    dst = jnp.concatenate([dst, loop])
    deg = jnp.zeros((num_nodes,), dtype=x.dtype).at[dst].add(1.0)
    dinv = jnp.where(deg > 0, jax.lax.rsqrt(jnp.maximum(deg, 1e-12)), 0.0)
    norm = dinv[src] * dinv[dst]
    h = x @ W
    msg = h[src] * norm[:, None]
    agg = jax.ops.segment_sum(msg, dst, num_segments=num_nodes)
    return agg + b


def reference(x, edge_index, W1, b1, W2, b2):
    out = _gcn_conv(x, edge_index, W1, b1, N) + _gcn_conv(x, edge_index, W2, b2, N)
    return jax.nn.relu(out)

if __name__ == "__main__":
    import jax
    _d = setup_inputs()
    print(jax.jit(kernel)(*tuple(_d.values())))

</pallas_src>

<mosaic_0001>
#map = affine_map<(d0, d1) -> (0, 0)>
#map1 = affine_map<(d0, d1) -> (0)>
module attributes {stable_mosaic.version = 14 : i64} {
  func.func @_agg_sc(%arg0: i32, %arg1: i32, %arg2: memref<10000x128xf32, #tpu.memory_space<hbm>>, %arg3: memref<320000xi32, #tpu.memory_space<hbm>>, %arg4: memref<320000xi32, #tpu.memory_space<hbm>>, %arg5: memref<10240x128xf32, #tpu.memory_space<hbm>>, %arg6: memref<20480x128xf32, #tpu.memory_space<hbm>>, %arg7: memref<80xi32, #tpu.memory_space<vmem>>, %arg8: memref<80xi32, #tpu.memory_space<vmem>>, %arg9: memref<80x128xf32, #tpu.memory_space<vmem>>, %arg10: memref<10240x128xf32, #tpu.memory_space<vmem_shared>>, %arg11: memref<!tpu.dma_semaphore, #tpu.memory_space<semaphore_mem>>) attributes {dimension_semantics = [#tpu.dimension_semantics<core_parallel>, #tpu.dimension_semantics<subcore_parallel>], iteration_bounds = array<i64: 2, 16>, scalar_prefetch = 0 : i64, scratch_operands = 5 : i64, tpu.core_type = #tpu.core_type<sc_vector_subcore>, window_params = [{transform_indices = #map}, {transform_indices = #map1}, {transform_indices = #map1}, {transform_indices = #map}, {transform_indices = #map}]} {
    %mul3A = arith.constant 2 : i32
    %mul3A_0 = arith.muli %arg1, %mul3A : i32
    %add3A = arith.addi %mul3A_0, %arg0 : i32
    %mul3A_1 = arith.constant 10000 : i32
    %mul3A_2 = arith.muli %add3A, %mul3A_1 : i32
    %eq3A = arith.constant 0 : i32
    %eq3A_3 = arith.cmpi eq, %arg1, %eq3A : i32
    %convert_element_type3A = arith.extui %eq3A_3 : i1 to i32
    %cond3A = arith.constant 0 : i32
    %cond3A_4 = arith.cmpi ne, %convert_element_type3A, %cond3A : i32
    scf.if %cond3A_4 {
      "tpu.region"() ({
        %run_scoped3A = tpu.sem_alloc : memref<!tpu.dma_semaphore, #tpu.memory_space<semaphore_mem>>
        tpu.enqueue_dma source(%arg5 : memref<10240x128xf32, #tpu.memory_space<hbm>>) target(%arg10 : memref<10240x128xf32, #tpu.memory_space<vmem_shared>>) target_semaphore(%run_scoped3A : memref<!tpu.dma_semaphore, #tpu.memory_space<semaphore_mem>>)
        tpu.wait_dma2 semaphore(%run_scoped3A : memref<!tpu.dma_semaphore, #tpu.memory_space<semaphore_mem>>) src(%arg5 : memref<10240x128xf32, #tpu.memory_space<hbm>>) dst(%arg10 : memref<10240x128xf32, #tpu.memory_space<vmem_shared>>)
        tpu.yield
      }) : () -> ()
    } else {
    }
    %barrier3A = arith.constant 0 : index
    tpu.barrier barrier_id(%barrier3A)
    %scan3A = arith.constant 0 : i32
    %scan3A_5 = arith.constant 0 : i32
    %scan3A_6 = arith.constant 125 : i32
    %scan3A_7 = arith.addi %scan3A_5, %scan3A_6 : i32
    %scan3A_8 = arith.constant 1 : i32
    scf.for %scan3A_16 = %scan3A_5 to %scan3A_7 step %scan3A_8  : i32 {
      %mul3A_17 = arith.constant 80 : i32
      %mul3A_18 = arith.muli %scan3A_16, %mul3A_17 : i32
      %add3A_19 = arith.addi %mul3A_2, %mul3A_18 : i32
      "tpu.region"() ({
        %run_scoped3A = tpu.sem_alloc : memref<!tpu.dma_semaphore, #tpu.memory_space<semaphore_mem>>
        %dma_start3A_24 = tpu.memref_slice %arg3[%add3A_19] : memref<320000xi32, #tpu.memory_space<hbm>> -> memref<80xi32, #tpu.memory_space<hbm>>
        %dma_start3A_25 = tpu.memref_slice %arg3[%add3A_19] : memref<320000xi32, #tpu.memory_space<hbm>> -> memref<80xi32, #tpu.memory_space<hbm>>
        tpu.enqueue_dma source(%dma_start3A_25 : memref<80xi32, #tpu.memory_space<hbm>>) target(%arg7 : memref<80xi32, #tpu.memory_space<vmem>>) target_semaphore(%run_scoped3A : memref<!tpu.dma_semaphore, #tpu.memory_space<semaphore_mem>>)
        %dma_wait3A_26 = tpu.memref_slice %arg3[%add3A_19] : memref<320000xi32, #tpu.memory_space<hbm>> -> memref<80xi32, #tpu.memory_space<hbm>>
        %dma_wait3A_27 = tpu.memref_slice %arg3[%add3A_19] : memref<320000xi32, #tpu.memory_space<hbm>> -> memref<80xi32, #tpu.memory_space<hbm>>
        tpu.wait_dma2 semaphore(%run_scoped3A : memref<!tpu.dma_semaphore, #tpu.memory_space<semaphore_mem>>) src(%dma_wait3A_27 : memref<80xi32, #tpu.memory_space<hbm>>) dst(%arg7 : memref<80xi32, #tpu.memory_space<vmem>>)
        tpu.yield
      }) : () -> ()
      %dma_start3A = arith.constant 0 : i32
      %dma_start3A_20 = arith.constant 0 : i32
      %dma_start3A_21 = tpu.memref_slice %arg2[%dma_start3A, %dma_start3A_20] : memref<10000x128xf32, #tpu.memory_space<hbm>> -> memref<10000x128xf32, #tpu.memory_space<hbm>>
      tpu.enqueue_indirect_dma source(%dma_start3A_21 : memref<10000x128xf32, #tpu.memory_space<hbm>>) target(%arg9 : memref<80x128xf32, #tpu.memory_space<vmem>>) offsets(%arg7 : memref<80xi32, #tpu.memory_space<vmem>>) semaphore(%arg11 : memref<!tpu.dma_semaphore, #tpu.memory_space<semaphore_mem>>)
      %dma_wait3A = arith.constant 0 : i32
      %dma_wait3A_22 = arith.constant 0 : i32
      %dma_wait3A_23 = tpu.memref_slice %arg2[%dma_wait3A, %dma_wait3A_22] : memref<10000x128xf32, #tpu.memory_space<hbm>> -> memref<10000x128xf32, #tpu.memory_space<hbm>>
      tpu.wait_indirect_dma semaphore(%arg11 : memref<!tpu.dma_semaphore, #tpu.memory_space<semaphore_mem>>) src(%dma_wait3A_23 : memref<10000x128xf32, #tpu.memory_space<hbm>>) dst(%arg9 : memref<80x128xf32, #tpu.memory_space<vmem>>)
      "tpu.region"() ({
        %run_scoped3A = tpu.sem_alloc : memref<!tpu.dma_semaphore, #tpu.memory_space<semaphore_mem>>
        %dma_start3A_24 = tpu.memref_slice %arg4[%add3A_19] : memref<320000xi32, #tpu.memory_space<hbm>> -> memref<80xi32, #tpu.memory_space<hbm>>
        %dma_start3A_25 = tpu.memref_slice %arg4[%add3A_19] : memref<320000xi32, #tpu.memory_space<hbm>> -> memref<80xi32, #tpu.memory_space<hbm>>
        tpu.enqueue_dma source(%dma_start3A_25 : memref<80xi32, #tpu.memory_space<hbm>>) target(%arg8 : memref<80xi32, #tpu.memory_space<vmem>>) target_semaphore(%run_scoped3A : memref<!tpu.dma_semaphore, #tpu.memory_space<semaphore_mem>>)
        %dma_wait3A_26 = tpu.memref_slice %arg4[%add3A_19] : memref<320000xi32, #tpu.memory_space<hbm>> -> memref<80xi32, #tpu.memory_space<hbm>>
        %dma_wait3A_27 = tpu.memref_slice %arg4[%add3A_19] : memref<320000xi32, #tpu.memory_space<hbm>> -> memref<80xi32, #tpu.memory_space<hbm>>
        tpu.wait_dma2 semaphore(%run_scoped3A : memref<!tpu.dma_semaphore, #tpu.memory_space<semaphore_mem>>) src(%dma_wait3A_27 : memref<80xi32, #tpu.memory_space<hbm>>) dst(%arg8 : memref<80xi32, #tpu.memory_space<vmem>>)
        tpu.yield
      }) : () -> ()
      "tpu.region"() ({
        %run_scoped3A = tpu.sem_alloc : memref<!tpu.dma_semaphore, #tpu.memory_space<semaphore_mem>>
        %dma_start3A_24 = arith.constant 0 : i32
        %dma_start3A_25 = arith.constant 0 : i32
        %dma_start3A_26 = tpu.memref_slice %arg10[%dma_start3A_24, %dma_start3A_25] : memref<10240x128xf32, #tpu.memory_space<vmem_shared>> -> memref<10240x128xf32, #tpu.memory_space<vmem_shared>>
        tpu.enqueue_indirect_dma source(%arg9 : memref<80x128xf32, #tpu.memory_space<vmem>>) target(%dma_start3A_26 : memref<10240x128xf32, #tpu.memory_space<vmem_shared>>) offsets(%arg8 : memref<80xi32, #tpu.memory_space<vmem>>) semaphore(%run_scoped3A : memref<!tpu.dma_semaphore, #tpu.memory_space<semaphore_mem>>) {add = true}
        %dma_wait3A_27 = arith.constant 0 : i32
        %dma_wait3A_28 = arith.constant 0 : i32
        %dma_wait3A_29 = tpu.memref_slice %arg10[%dma_wait3A_27, %dma_wait3A_28] : memref<10240x128xf32, #tpu.memory_space<vmem_shared>> -> memref<10240x128xf32, #tpu.memory_space<vmem_shared>>
        tpu.wait_indirect_dma semaphore(%run_scoped3A : memref<!tpu.dma_semaphore, #tpu.memory_space<semaphore_mem>>) src(%arg9 : memref<80x128xf32, #tpu.memory_space<vmem>>) dst(%dma_wait3A_29 : memref<10240x128xf32, #tpu.memory_space<vmem_shared>>)
        tpu.yield
      }) : () -> ()
    }
    %scan3A_9 = arith.constant 125 : i32
    %barrier3A_10 = arith.constant 0 : index
    tpu.barrier barrier_id(%barrier3A_10)
    %eq3A_11 = arith.constant 0 : i32
    %eq3A_12 = arith.cmpi eq, %arg1, %eq3A_11 : i32
    %convert_element_type3A_13 = arith.extui %eq3A_12 : i1 to i32
    %cond3A_14 = arith.constant 0 : i32
    %cond3A_15 = arith.cmpi ne, %convert_element_type3A_13, %cond3A_14 : i32
    scf.if %cond3A_15 {
      %mul3A_16 = arith.constant 10240 : i32
      %mul3A_17 = arith.muli %arg0, %mul3A_16 : i32
      "tpu.region"() ({
        %run_scoped3A = tpu.sem_alloc : memref<!tpu.dma_semaphore, #tpu.memory_space<semaphore_mem>>
        %dma_start3A = arith.constant 0 : i32
        %dma_start3A_18 = tpu.memref_slice %arg6[%mul3A_17, %dma_start3A] : memref<20480x128xf32, #tpu.memory_space<hbm>> -> memref<10240x128xf32, #tpu.memory_space<hbm>>
        tpu.enqueue_dma source(%arg10 : memref<10240x128xf32, #tpu.memory_space<vmem_shared>>) target(%dma_start3A_18 : memref<10240x128xf32, #tpu.memory_space<hbm>>) target_semaphore(%run_scoped3A : memref<!tpu.dma_semaphore, #tpu.memory_space<semaphore_mem>>)
        %dma_wait3A = arith.constant 0 : i32
        %dma_wait3A_19 = tpu.memref_slice %arg6[%mul3A_17, %dma_wait3A] : memref<20480x128xf32, #tpu.memory_space<hbm>> -> memref<10240x128xf32, #tpu.memory_space<hbm>>
        tpu.wait_dma2 semaphore(%run_scoped3A : memref<!tpu.dma_semaphore, #tpu.memory_space<semaphore_mem>>) src(%arg10 : memref<10240x128xf32, #tpu.memory_space<vmem_shared>>) dst(%dma_wait3A_19 : memref<10240x128xf32, #tpu.memory_space<hbm>>)
        tpu.yield
      }) : () -> ()
    } else {
    }
    return
  }
}

#map = affine_map<(d0, d1) -> (0)>
#map1 = affine_map<(d0, d1) -> (0, 0)>
module attributes {stable_mosaic.version = 14 : i64} {
  func.func @_hist_sc(%arg0: i32, %arg1: i32, %arg2: memref<320000xi32, #tpu.memory_space<hbm>>, %arg3: memref<10240x128xf32, #tpu.memory_space<hbm>>, %arg4: memref<80x128xf32, #tpu.memory_space<hbm>>, %arg5: memref<20480x128xf32, #tpu.memory_space<hbm>>, %arg6: memref<80xi32, #tpu.memory_space<vmem>>, %arg7: memref<80x128xf32, #tpu.memory_space<vmem>>, %arg8: memref<10240x128xf32, #tpu.memory_space<vmem_shared>>) attributes {dimension_semantics = [#tpu.dimension_semantics<core_parallel>, #tpu.dimension_semantics<subcore_parallel>], iteration_bounds = array<i64: 2, 16>, scalar_prefetch = 0 : i64, scratch_operands = 3 : i64, tpu.core_type = #tpu.core_type<sc_vector_subcore>, window_params = [{transform_indices = #map}, {transform_indices = #map1}, {transform_indices = #map1}, {transform_indices = #map1}]} {
    %mul3A = arith.constant 2 : i32
    %mul3A_0 = arith.muli %arg1, %mul3A : i32
    %add3A = arith.addi %mul3A_0, %arg0 : i32
    %mul3A_1 = arith.constant 10000 : i32
    %mul3A_2 = arith.muli %add3A, %mul3A_1 : i32
    "tpu.region"() ({
      %run_scoped3A = tpu.sem_alloc : memref<!tpu.dma_semaphore, #tpu.memory_space<semaphore_mem>>
      tpu.enqueue_dma source(%arg4 : memref<80x128xf32, #tpu.memory_space<hbm>>) target(%arg7 : memref<80x128xf32, #tpu.memory_space<vmem>>) target_semaphore(%run_scoped3A : memref<!tpu.dma_semaphore, #tpu.memory_space<semaphore_mem>>)
      tpu.wait_dma2 semaphore(%run_scoped3A : memref<!tpu.dma_semaphore, #tpu.memory_space<semaphore_mem>>) src(%arg4 : memref<80x128xf32, #tpu.memory_space<hbm>>) dst(%arg7 : memref<80x128xf32, #tpu.memory_space<vmem>>)
      tpu.yield
    }) : () -> ()
    %eq3A = arith.constant 0 : i32
    %eq3A_3 = arith.cmpi eq, %arg1, %eq3A : i32
    %convert_element_type3A = arith.extui %eq3A_3 : i1 to i32
    %cond3A = arith.constant 0 : i32
    %cond3A_4 = arith.cmpi ne, %convert_element_type3A, %cond3A : i32
    scf.if %cond3A_4 {
      "tpu.region"() ({
        %run_scoped3A = tpu.sem_alloc : memref<!tpu.dma_semaphore, #tpu.memory_space<semaphore_mem>>
        tpu.enqueue_dma source(%arg3 : memref<10240x128xf32, #tpu.memory_space<hbm>>) target(%arg8 : memref<10240x128xf32, #tpu.memory_space<vmem_shared>>) target_semaphore(%run_scoped3A : memref<!tpu.dma_semaphore, #tpu.memory_space<semaphore_mem>>)
        tpu.wait_dma2 semaphore(%run_scoped3A : memref<!tpu.dma_semaphore, #tpu.memory_space<semaphore_mem>>) src(%arg3 : memref<10240x128xf32, #tpu.memory_space<hbm>>) dst(%arg8 : memref<10240x128xf32, #tpu.memory_space<vmem_shared>>)
        tpu.yield
      }) : () -> ()
    } else {
    }
    %barrier3A = arith.constant 0 : index
    tpu.barrier barrier_id(%barrier3A)
    %scan3A = arith.constant 0 : i32
    %scan3A_5 = arith.constant 0 : i32
    %scan3A_6 = arith.constant 125 : i32
    %scan3A_7 = arith.addi %scan3A_5, %scan3A_6 : i32
    %scan3A_8 = arith.constant 1 : i32
    scf.for %scan3A_16 = %scan3A_5 to %scan3A_7 step %scan3A_8  : i32 {
      %mul3A_17 = arith.constant 80 : i32
      %mul3A_18 = arith.muli %scan3A_16, %mul3A_17 : i32
      %add3A_19 = arith.addi %mul3A_2, %mul3A_18 : i32
      "tpu.region"() ({
        %run_scoped3A = tpu.sem_alloc : memref<!tpu.dma_semaphore, #tpu.memory_space<semaphore_mem>>
        %dma_start3A = tpu.memref_slice %arg2[%add3A_19] : memref<320000xi32, #tpu.memory_space<hbm>> -> memref<80xi32, #tpu.memory_space<hbm>>
        %dma_start3A_20 = tpu.memref_slice %arg2[%add3A_19] : memref<320000xi32, #tpu.memory_space<hbm>> -> memref<80xi32, #tpu.memory_space<hbm>>
        tpu.enqueue_dma source(%dma_start3A_20 : memref<80xi32, #tpu.memory_space<hbm>>) target(%arg6 : memref<80xi32, #tpu.memory_space<vmem>>) target_semaphore(%run_scoped3A : memref<!tpu.dma_semaphore, #tpu.memory_space<semaphore_mem>>)
        %dma_wait3A = tpu.memref_slice %arg2[%add3A_19] : memref<320000xi32, #tpu.memory_space<hbm>> -> memref<80xi32, #tpu.memory_space<hbm>>
        %dma_wait3A_21 = tpu.memref_slice %arg2[%add3A_19] : memref<320000xi32, #tpu.memory_space<hbm>> -> memref<80xi32, #tpu.memory_space<hbm>>
        tpu.wait_dma2 semaphore(%run_scoped3A : memref<!tpu.dma_semaphore, #tpu.memory_space<semaphore_mem>>) src(%dma_wait3A_21 : memref<80xi32, #tpu.memory_space<hbm>>) dst(%arg6 : memref<80xi32, #tpu.memory_space<vmem>>)
        tpu.yield
      }) : () -> ()
      "tpu.region"() ({
        %run_scoped3A = tpu.sem_alloc : memref<!tpu.dma_semaphore, #tpu.memory_space<semaphore_mem>>
        %dma_start3A = arith.constant 0 : i32
        %dma_start3A_20 = arith.constant 0 : i32
        %dma_start3A_21 = tpu.memref_slice %arg8[%dma_start3A, %dma_start3A_20] : memref<10240x128xf32, #tpu.memory_space<vmem_shared>> -> memref<10240x128xf32, #tpu.memory_space<vmem_shared>>
        tpu.enqueue_indirect_dma source(%arg7 : memref<80x128xf32, #tpu.memory_space<vmem>>) target(%dma_start3A_21 : memref<10240x128xf32, #tpu.memory_space<vmem_shared>>) offsets(%arg6 : memref<80xi32, #tpu.memory_space<vmem>>) semaphore(%run_scoped3A : memref<!tpu.dma_semaphore, #tpu.memory_space<semaphore_mem>>) {add = true}
        %dma_wait3A = arith.constant 0 : i32
        %dma_wait3A_22 = arith.constant 0 : i32
        %dma_wait3A_23 = tpu.memref_slice %arg8[%dma_wait3A, %dma_wait3A_22] : memref<10240x128xf32, #tpu.memory_space<vmem_shared>> -> memref<10240x128xf32, #tpu.memory_space<vmem_shared>>
        tpu.wait_indirect_dma semaphore(%run_scoped3A : memref<!tpu.dma_semaphore, #tpu.memory_space<semaphore_mem>>) src(%arg7 : memref<80x128xf32, #tpu.memory_space<vmem>>) dst(%dma_wait3A_23 : memref<10240x128xf32, #tpu.memory_space<vmem_shared>>)
        tpu.yield
      }) : () -> ()
    }
    %scan3A_9 = arith.constant 125 : i32
    %barrier3A_10 = arith.constant 0 : index
    tpu.barrier barrier_id(%barrier3A_10)
    %eq3A_11 = arith.constant 0 : i32
    %eq3A_12 = arith.cmpi eq, %arg1, %eq3A_11 : i32
    %convert_element_type3A_13 = arith.extui %eq3A_12 : i1 to i32
    %cond3A_14 = arith.constant 0 : i32
    %cond3A_15 = arith.cmpi ne, %convert_element_type3A_13, %cond3A_14 : i32
    scf.if %cond3A_15 {
      %mul3A_16 = arith.constant 10240 : i32
      %mul3A_17 = arith.muli %arg0, %mul3A_16 : i32
      "tpu.region"() ({
        %run_scoped3A = tpu.sem_alloc : memref<!tpu.dma_semaphore, #tpu.memory_space<semaphore_mem>>
        %dma_start3A = arith.constant 0 : i32
        %dma_start3A_18 = tpu.memref_slice %arg5[%mul3A_17, %dma_start3A] : memref<20480x128xf32, #tpu.memory_space<hbm>> -> memref<10240x128xf32, #tpu.memory_space<hbm>>
        tpu.enqueue_dma source(%arg8 : memref<10240x128xf32, #tpu.memory_space<vmem_shared>>) target(%dma_start3A_18 : memref<10240x128xf32, #tpu.memory_space<hbm>>) target_semaphore(%run_scoped3A : memref<!tpu.dma_semaphore, #tpu.memory_space<semaphore_mem>>)
        %dma_wait3A = arith.constant 0 : i32
        %dma_wait3A_19 = tpu.memref_slice %arg5[%mul3A_17, %dma_wait3A] : memref<20480x128xf32, #tpu.memory_space<hbm>> -> memref<10240x128xf32, #tpu.memory_space<hbm>>
        tpu.wait_dma2 semaphore(%run_scoped3A : memref<!tpu.dma_semaphore, #tpu.memory_space<semaphore_mem>>) src(%arg8 : memref<10240x128xf32, #tpu.memory_space<vmem_shared>>) dst(%dma_wait3A_19 : memref<10240x128xf32, #tpu.memory_space<hbm>>)
        tpu.yield
      }) : () -> ()
    } else {
    }
    return
  }
}

module attributes {stable_mosaic.version = 14 : i64} {
  func.func @_mm_body(%arg0: i32, %arg1: memref<1000x128xf32, #tpu.memory_space<vmem>>, %arg2: memref<128x128xf32, #tpu.memory_space<vmem>>, %arg3: memref<2x1000x1xf32, #tpu.memory_space<vmem>>, %arg4: memref<1000x128xf32, #tpu.memory_space<vmem>>) attributes {dimension_semantics = [#tpu.dimension_semantics<arbitrary>], iteration_bounds = array<i64: 10>, scalar_prefetch = 0 : i64, scratch_operands = 0 : i64, tpu.core_type = #tpu.core_type<tc>, window_params = [{transform_indices = @transform_0, window_bounds = array<i64: 1000, 128>}, {pipeline_mode = #tpu.pipeline_mode<synchronous>, transform_indices = @transform_1, window_bounds = array<i64: 128, 128>}, {transform_indices = @transform_2, window_bounds = array<i64: 2, 1000, 1>}, {transform_indices = @transform_3, window_bounds = array<i64: 1000, 128>}]} {
    %get3A = arith.constant 0 : index
    %get3A_0 = arith.constant 0 : index
    %get3A_1 = arith.constant 0 : index
    %get3A_2 = vector.load %arg3[%get3A, %get3A_0, %get3A_1] : memref<2x1000x1xf32, #tpu.memory_space<vmem>>, vector<1x1000x1xf32>
    %get3A_3 = vector.shape_cast %get3A_2 : vector<1x1000x1xf32> to vector<1000x1xf32>
    %get3A_4 = arith.constant 1 : index
    %get3A_5 = arith.constant 0 : index
    %get3A_6 = arith.constant 0 : index
    %get3A_7 = vector.load %arg3[%get3A_4, %get3A_5, %get3A_6] : memref<2x1000x1xf32, #tpu.memory_space<vmem>>, vector<1x1000x1xf32>
    %get3A_8 = vector.shape_cast %get3A_7 : vector<1x1000x1xf32> to vector<1000x1xf32>
    %add3A = arith.addf %get3A_3, %get3A_8 : vector<1000x1xf32>
    %add3A_9 = arith.constant 1.000000e+00 : f32
    %add3A_10 = vector.broadcast %add3A_9 : f32 to vector<1000x1xf32>
    %add3A_11 = arith.addf %add3A, %add3A_10 : vector<1000x1xf32>
    %rsqrt3A = math.rsqrt %add3A_11 : vector<1000x1xf32>
    %get3A_12 = arith.constant 0 : index
    %get3A_13 = arith.constant 0 : index
    %get3A_14 = vector.load %arg1[%get3A_12, %get3A_13] : memref<1000x128xf32, #tpu.memory_space<vmem>>, vector<1000x128xf32>
    %get3A_15 = arith.constant 0 : index
    %get3A_16 = arith.constant 0 : index
    %get3A_17 = vector.load %arg2[%get3A_15, %get3A_16] : memref<128x128xf32, #tpu.memory_space<vmem>>, vector<128x128xf32>
    %dot_general3A = arith.constant dense<0.000000e+00> : vector<1000x128xf32>
    %dot_general3A_18 = tpu.matmul %get3A_14, %get3A_17, %dot_general3A {dimension_numbers = #tpu.dot_dimension_numbers<[1], [0], [0], [1], [0, 0, 1, 1], [], []>, transpose_lhs_hint = false} : vector<1000x128xf32>, vector<128x128xf32>, vector<1000x128xf32> -> vector<1000x128xf32>
    %mul3A = vector.broadcast %rsqrt3A : vector<1000x1xf32> to vector<1000x128xf32>
    %mul3A_19 = arith.mulf %dot_general3A_18, %mul3A : vector<1000x128xf32>
    %swap3A = arith.constant 0 : index
    %swap3A_20 = arith.constant 0 : index
    %swap3A_21 = vector.load %arg4[%swap3A, %swap3A_20] : memref<1000x128xf32, #tpu.memory_space<vmem>>, vector<1000x128xf32>
    tpu.vector_store %arg4[%swap3A, %swap3A_20], %mul3A_19 {strides = array<i32>} : memref<1000x128xf32, #tpu.memory_space<vmem>>, vector<1000x128xf32>,
    return
  }
  func.func @transform_0(%arg0: i32) -> (i32, i32) {
    %c0_i32 = arith.constant 0 : i32
    %c0_i32_0 = arith.constant 0 : i32
    return %arg0, %c0_i32 : i32, i32
  }
  func.func @transform_1(%arg0: i32) -> (i32, i32) {
    %c0_i32 = arith.constant 0 : i32
    %c0_i32_0 = arith.constant 0 : i32
    %c0_i32_1 = arith.constant 0 : i32
    return %c0_i32, %c0_i32_0 : i32, i32
  }
  func.func @transform_2(%arg0: i32) -> (i32, i32, i32) {
    %c0_i32 = arith.constant 0 : i32
    %c0_i32_0 = arith.constant 0 : i32
    %c0_i32_1 = arith.constant 0 : i32
    return %c0_i32, %arg0, %c0_i32_0 : i32, i32, i32
  }
  func.func @transform_3(%arg0: i32) -> (i32, i32) {
    %c0_i32 = arith.constant 0 : i32
    %c0_i32_0 = arith.constant 0 : i32
    return %arg0, %c0_i32 : i32, i32
  }
}

module attributes {stable_mosaic.version = 14 : i64} {
  func.func @_fin_body(%arg0: i32, %arg1: memref<2x1000x128xf32, #tpu.memory_space<vmem>>, %arg2: memref<1000x128xf32, #tpu.memory_space<vmem>>, %arg3: memref<2x1000x1xf32, #tpu.memory_space<vmem>>, %arg4: memref<1x128xf32, #tpu.memory_space<vmem>>, %arg5: memref<1000x128xf32, #tpu.memory_space<vmem>>) attributes {dimension_semantics = [#tpu.dimension_semantics<arbitrary>], iteration_bounds = array<i64: 10>, scalar_prefetch = 0 : i64, scratch_operands = 0 : i64, tpu.core_type = #tpu.core_type<tc>, window_params = [{transform_indices = @transform_0, window_bounds = array<i64: 2, 1000, 128>}, {transform_indices = @transform_1, window_bounds = array<i64: 1000, 128>}, {transform_indices = @transform_2, window_bounds = array<i64: 2, 1000, 1>}, {pipeline_mode = #tpu.pipeline_mode<synchronous>, transform_indices = @transform_3, window_bounds = array<i64: 1, 128>}, {transform_indices = @transform_4, window_bounds = array<i64: 1000, 128>}]} {
    %get3A = arith.constant 0 : index
    %get3A_0 = arith.constant 0 : index
    %get3A_1 = arith.constant 0 : index
    %get3A_2 = vector.load %arg3[%get3A, %get3A_0, %get3A_1] : memref<2x1000x1xf32, #tpu.memory_space<vmem>>, vector<1x1000x1xf32>
    %get3A_3 = vector.shape_cast %get3A_2 : vector<1x1000x1xf32> to vector<1000x1xf32>
    %get3A_4 = arith.constant 1 : index
    %get3A_5 = arith.constant 0 : index
    %get3A_6 = arith.constant 0 : index
    %get3A_7 = vector.load %arg3[%get3A_4, %get3A_5, %get3A_6] : memref<2x1000x1xf32, #tpu.memory_space<vmem>>, vector<1x1000x1xf32>
    %get3A_8 = vector.shape_cast %get3A_7 : vector<1x1000x1xf32> to vector<1000x1xf32>
    %add3A = arith.addf %get3A_3, %get3A_8 : vector<1000x1xf32>
    %add3A_9 = arith.constant 1.000000e+00 : f32
    %add3A_10 = vector.broadcast %add3A_9 : f32 to vector<1000x1xf32>
    %add3A_11 = arith.addf %add3A, %add3A_10 : vector<1000x1xf32>
    %rsqrt3A = math.rsqrt %add3A_11 : vector<1000x1xf32>
    %get3A_12 = arith.constant 0 : index
    %get3A_13 = arith.constant 0 : index
    %get3A_14 = arith.constant 0 : index
    %get3A_15 = vector.load %arg1[%get3A_12, %get3A_13, %get3A_14] : memref<2x1000x128xf32, #tpu.memory_space<vmem>>, vector<1x1000x128xf32>
    %get3A_16 = vector.shape_cast %get3A_15 : vector<1x1000x128xf32> to vector<1000x128xf32>
    %get3A_17 = arith.constant 1 : index
    %get3A_18 = arith.constant 0 : index
    %get3A_19 = arith.constant 0 : index
    %get3A_20 = vector.load %arg1[%get3A_17, %get3A_18, %get3A_19] : memref<2x1000x128xf32, #tpu.memory_space<vmem>>, vector<1x1000x128xf32>
    %get3A_21 = vector.shape_cast %get3A_20 : vector<1x1000x128xf32> to vector<1000x128xf32>
    %add3A_22 = arith.addf %get3A_16, %get3A_21 : vector<1000x128xf32>
    %get3A_23 = arith.constant 0 : index
    %get3A_24 = arith.constant 0 : index
    %get3A_25 = vector.load %arg2[%get3A_23, %get3A_24] : memref<1000x128xf32, #tpu.memory_space<vmem>>, vector<1000x128xf32>
    %add3A_26 = arith.addf %add3A_22, %get3A_25 : vector<1000x128xf32>
    %mul3A = vector.broadcast %rsqrt3A : vector<1000x1xf32> to vector<1000x128xf32>
    %mul3A_27 = arith.mulf %add3A_26, %mul3A : vector<1000x128xf32>
    %get3A_28 = arith.constant 0 : index
    %get3A_29 = arith.constant 0 : index
    %get3A_30 = vector.load %arg4[%get3A_28, %get3A_29] : memref<1x128xf32, #tpu.memory_space<vmem>>, vector<1x128xf32>
    %add3A_31 = vector.broadcast %get3A_30 : vector<1x128xf32> to vector<1000x128xf32>
    %add3A_32 = arith.addf %mul3A_27, %add3A_31 : vector<1000x128xf32>
    %max3A = arith.constant 0.000000e+00 : f32
    %max3A_33 = vector.broadcast %max3A : f32 to vector<1000x128xf32>
    %max3A_34 = arith.maximumf %add3A_32, %max3A_33 : vector<1000x128xf32>
    %swap3A = arith.constant 0 : index
    %swap3A_35 = arith.constant 0 : index
    %swap3A_36 = vector.load %arg5[%swap3A, %swap3A_35] : memref<1000x128xf32, #tpu.memory_space<vmem>>, vector<1000x128xf32>
    tpu.vector_store %arg5[%swap3A, %swap3A_35], %max3A_34 {strides = array<i32>} : memref<1000x128xf32, #tpu.memory_space<vmem>>, vector<1000x128xf32>,
    return
  }
  func.func @transform_0(%arg0: i32) -> (i32, i32, i32) {
    %c0_i32 = arith.constant 0 : i32
    %c0_i32_0 = arith.constant 0 : i32
    %c0_i32_1 = arith.constant 0 : i32
    return %c0_i32, %arg0, %c0_i32_0 : i32, i32, i32
  }
  func.func @transform_1(%arg0: i32) -> (i32, i32) {
    %c0_i32 = arith.constant 0 : i32
    %c0_i32_0 = arith.constant 0 : i32
    return %arg0, %c0_i32 : i32, i32
  }
  func.func @transform_2(%arg0: i32) -> (i32, i32, i32) {
    %c0_i32 = arith.constant 0 : i32
    %c0_i32_0 = arith.constant 0 : i32
    %c0_i32_1 = arith.constant 0 : i32
    return %c0_i32, %arg0, %c0_i32_0 : i32, i32, i32
  }
  func.func @transform_3(%arg0: i32) -> (i32, i32) {
    %c0_i32 = arith.constant 0 : i32
    %c0_i32_0 = arith.constant 0 : i32
    %c0_i32_1 = arith.constant 0 : i32
    return %c0_i32, %c0_i32_0 : i32, i32
  }
  func.func @transform_4(%arg0: i32) -> (i32, i32) {
    %c0_i32 = arith.constant 0 : i32
    %c0_i32_0 = arith.constant 0 : i32
    return %arg0, %c0_i32 : i32, i32
  }
}

</mosaic_0001>

<sc_bundles>
// kernel: kernel.6.cloned.1.call-start
scs
__scs_entry_jumppad:
0x0: {  	(pc) =	sbr.rel $0x88, $3  }
0x1: {  	(tag) =	ssettag $0x0;
	lr =	simm.s32 $0x1  }
0x2: {  	[smem:$0x3F9B] =	sst lr;
	_ =	strace $0xD0000000  }
0x3: {  	_ = 	snop  }
0x4: {  	_ = 	snop  }
0x5: {  	_ = 	snop  }
0x6: {  	_ = 	snop  }
0x7: {  	_ = 	snop  }
__scs_overlays_trampoline_lowered:
0x8: {  	[smem:$0x3FAA] =	sst s0  }
0x9: {  	[smem:$0x3FAB] =	sst s1  }
0xa: {  	[smem:$0x3FAC] =	sst s2  }
0xb: {  	[smem:$0x3FAD] =	sst s3  }
0xc: {  	[smem:$0x3FAE] =	sst s4  }
0xd: {  	[smem:$0x3FAF] =	sst s5  }
0xe: {  	[smem:$0x3FB0] =	sst s6  }
0xf: {  	[smem:$0x3FB1] =	sst s7  }
0x10: {  	[smem:$0x3FB2] =	sst s8  }
0x11: {  	[smem:$0x3FB3] =	sst s9;
	s0 =	simm.s32 @!p0 $0x0  }
0x12: {  	s1 =	sld [smem:$0x3F99];
	s0 =	simm.s32 @p0 $0x1  }
0x13: {  	[smem:$0x3FB4] =	sst s0;
	s0 =	simm.s32 @!p1 $0x0  }
0x14: {  	s2 =	sld [smem:$0x3F98];
	s0 =	simm.s32 @p1 $0x1  }
0x15: {  	[smem:$0x3FB5] =	sst s0;
	s0 =	simm.s32 @!p2 $0x0  }
0x16: {  	s3 =	sld [smem:$0x3FDB];
	s0 =	simm.s32 @p2 $0x1  }
0x17: {  	s4 =	simm.s32 $0x1BF5;
	[smem:$0x3FB7] =	sst s0  }
0x18: {  	s0 =	sld [smem:$0x3F9A];
	_ =	swait.ge [sflag:s4], $0x0  }
0x19: {  	s7 =	sld [smem:$0x3F9B]  }
0x1a: {  	s8 =	sadd.s32 $0xFFFFE003, lr  }
0x1b: {  	s9 =	sadd.s32 $0xFFFFFEF7, lr;
	s5 =	simm.s32 $0xFFFFFFFF;
	p2 =	slt.u32 s8, $0xFFFFF086  }
0x1c: {  	p1 =	slt.u32 s9, $0xF7A;
	s5 =	simm.s32 @!p2 $0x0  }
0x1d: {  	s5 =	simm.s32 @p1 $0x1;
	p0 =	seq.s32 s7, s2  }
0x1e: {  	s7 =	smul.u32 @!p0 $0xF7A, s2;
	p2 =	seq.s32 @!p0 s5, $0x0  }
0x1f: {  	s9 =	smul.u32 $0xF7A, s1;
	s8 =	simm.s32 @!p0 $0x1BF5;
	p2 =	por !p2, p0  }
0x20: {  	[sflag:s8] =	ssyncset.s32 @!p0 $0xFFFFF086;
	s6 =	sadd.s32 @!p0 s3, s7;
	s7 =	simm.s32 @!p0 $0x108  }
0x21: {  	s3 =	sadd.s32 s3, s9;
	s6 =	sadd.s32 @!p0 $0x88, s6;
	s7 =	simm.s32 @p2 $0x1082  }
0x22: {  	[simem:s7], [sflag:s8] =	dma.local @!p0 [hbm:s6], $0xF7A  }
0x23: {  	s9 =	sor.u32 $0xD0000000, s2;
	s6 =	simm.s32 $0x108;
	_ =	swait.ge @!p0 [sflag:s8], $0x0  }
0x24: {  	s3 =	sadd.s32 $0x88, s3;
	s6 =	simm.s32 @!p1 $0x1082;
	[sflag:s4] =	ssyncset.s32 $0xFFFFF086  }
0x25: {  	[simem:s6], [sflag:s4] =	dma.local [hbm:s3], $0xF7A  }
0x26: {  	[smem:$0x3F9B] =	sst s1;
	(tag) =	ssettag s2;
	_ =	strace s9  }
0x27: {  	s1 =	sld [smem:$0x3FAB]  }
0x28: {  	s2 =	sld [smem:$0x3FAC]  }
0x29: {  	s4 =	sld [smem:$0x3FAE]  }
0x2a: {  	p0 =	seq.s32 s5, $0x0;
	s5 =	sld [smem:$0x3FAF]  }
0x2b: {  	s6 =	sld [smem:$0x3FB0]  }
0x2c: {  	s7 =	sld [smem:$0x3FB1]  }
0x2d: {  	s3 =	simm.s32 $0x108;
	s8 =	sld [smem:$0x3FB2]  }
0x2e: {  	s3 =	simm.s32 @!p0 $0x1082;
	s9 =	sld [smem:$0x3FB3]  }
0x2f: {  	lr =	sadd.s32 s0, s3;
	s0 =	sld [smem:$0x3FAA]  }
0x30: {  	s3 =	sld [smem:$0x3FAD]  }
0x31: {  	[smem:$0x3FB6] =	sst s10  }
0x32: {  	s10 =	sld [smem:$0x3FB4];
	_ =	sdelay $0x3  }
0x33: {  	p0 =	seq.s32 s10, $0x1;
	s10 =	sld [smem:$0x3FB6];
	_ =	sdelay $0x3  }
0x34: {  	[smem:$0x3FB6] =	sst s10  }
0x35: {  	s10 =	sld [smem:$0x3FB5];
	_ =	sdelay $0x3  }
0x36: {  	p1 =	seq.s32 s10, $0x1;
	s10 =	sld [smem:$0x3FB6];
	_ =	sdelay $0x3  }
0x37: {  	[smem:$0x3FB6] =	sst s10  }
0x38: {  	s10 =	sld [smem:$0x3FB7]  }
0x39: {  	_ = 	snop;
	(pc) =	sbr.ind lr, $3  }
0x3a: {  	_ = 	snop  }
0x3b: {  	_ = 	snop  }
0x3c: {  	p2 =	seq.s32 s10, $0x1;
	s10 =	sld [smem:$0x3FB6]  }
0x3d: {  	_ =	shalt  }
0x3e: {  	_ =	shalt  }
0x3f: {  	_ =	shalt  }
0x40: {  	_ =	shalt  }
0x41: {  	_ =	shalt  }
0x42: {  	_ =	shalt  }
0x43: {  	_ =	shalt  }
0x44: {  	_ =	shalt  }
0x45: {  	_ =	shalt  }
0x46: {  	_ =	shalt  }
0x47: {  	_ =	shalt  }
0x48: {  	_ =	shalt  }
0x49: {  	_ =	shalt  }
0x4a: {  	_ =	shalt  }
0x4b: {  	_ =	shalt  }
0x4c: {  	_ =	shalt  }
0x4d: {  	_ =	shalt  }
0x4e: {  	_ =	shalt  }
0x4f: {  	_ =	shalt  }
0x50: {  	_ =	shalt  }
0x51: {  	_ =	shalt  }
0x52: {  	_ =	shalt  }
0x53: {  	_ =	shalt  }
0x54: {  	_ =	shalt  }
0x55: {  	_ =	shalt  }
0x56: {  	_ =	shalt  }
0x57: {  	_ =	shalt  }
0x58: {  	_ =	shalt  }
0x59: {  	_ =	shalt  }
0x5a: {  	_ =	shalt  }
0x5b: {  	_ =	shalt  }
0x5c: {  	_ =	shalt  }
0x5d: {  	_ =	shalt  }
0x5e: {  	_ =	shalt  }
0x5f: {  	_ =	shalt  }
0x60: {  	_ =	shalt  }
0x61: {  	_ =	shalt  }
0x62: {  	_ =	shalt  }
0x63: {  	_ =	shalt  }
0x64: {  	_ =	shalt  }
0x65: {  	_ =	shalt  }
0x66: {  	_ =	shalt  }
0x67: {  	_ =	shalt  }
0x68: {  	_ =	shalt  }
0x69: {  	_ =	shalt  }
0x6a: {  	_ =	shalt  }
0x6b: {  	_ =	shalt  }
0x6c: {  	_ =	shalt  }
0x6d: {  	_ =	shalt  }
0x6e: {  	_ =	shalt  }
0x6f: {  	_ =	shalt  }
0x70: {  	_ =	shalt  }
0x71: {  	_ =	shalt  }
0x72: {  	_ =	shalt  }
0x73: {  	_ =	shalt  }
0x74: {  	_ =	shalt  }
0x75: {  	_ =	shalt  }
0x76: {  	_ =	shalt  }
0x77: {  	_ =	shalt  }
0x78: {  	_ =	shalt  }
0x79: {  	_ =	shalt  }
0x7a: {  	_ =	shalt  }
0x7b: {  	_ =	shalt  }
0x7c: {  	_ =	shalt  }
0x7d: {  	_ =	shalt  }
0x7e: {  	_ =	shalt  }
0x7f: {  	_ =	shalt  }
0x80: {  	_ =	shalt  }
0x81: {  	_ =	shalt  }
0x82: {  	_ =	shalt  }
0x83: {  	_ =	shalt  }
0x84: {  	_ =	shalt  }
0x85: {  	_ =	shalt  }
0x86: {  	_ =	shalt  }
0x87: {  	_ =	shalt  }
.Lfunc_end0:
.L_simem_size_0:
called_computation_lowered:
.L_overlay_start_0:
0x88: {  	s2 =	sld [smem:$0x3FD9]  }
0x89: {  	s3 =	sld [smem:$0x3FFE];
	_ =	sdelay $0x1  }
0x8a: {  	s1 =	srdreg.scid  }
0x8b: {  	s0 =	sand.u32 $0x1, s1  }
0x8c: {  	s17 =	sshll.u32 s0, $0xA;
	s2 =	sadd.s32 s3, s2  }
0x8d: {  	s2 =	sadd.s32 s2, s17  }
0x8e: {  	[smem:$0x3FC2] =	sst s2  }
0x8f: {  	_ = 	snop  }
0x90: {  	s2 =	sld [smem:$0x3FD0];
	(tm) =	ssettm $0x1  }
0x91: {  	s18 =	sld [smem:$0x3FFB];
	_ =	sdelay $0x3  }
0x92: {  	_ =	strace s18  }
0x93: {  	s3 =	sld [smem:$0x3FFC];
	_ =	sdelay $0x3  }
0x94: {  	_ =	strace s3  }
0x95: {  	s3 =	sld [smem:$0x3FFD];
	_ =	sdelay $0x3  }
0x96: {  	_ =	strace s3  }
0x97: {  	_ =	strace $0x8FFFFFFF  }
0x98: {  	s19 =	sld [smem:$0x3FDB];
	_ =	sdelay $0x1  }
0x99: {  	s4 =	simm.s32 $_scs_section_size  }
0x9a: {  	s5 =	simm.s32 $_size__tile_overlayer_lowered;
	s6 =	simm.s32 $_tile_overlayer_lowered  }
0x9b: {  	s22 =	simm.s32 $0x1BFF;
	s21 =	sshll.u32 s6, $0x1;
	s3 =	sadd.s32 s4, s19  }
0x9c: {  	s7 =	simm.s32 $0x0;
	s20 =	sshll.u32 s5, $0x1;
	s5 =	sadd.s32 s21, s3  }
0x9d: {  	[timem:s7], [sflag:s22] =	dma.local [hbm:s5], s20  }
0x9e: {  	_ =	swait.ge [sflag:s22], s20  }
0x9f: {  	s4 =	ssub.s32 $0x0, s20;
	[sflag:s22] =	ssyncset.done $0x0  }
0xa0: {  	[sflag:s22] =	ssyncadd.s32 s4;
	_ =	sdelay $0x1  }
0xa1: {  	s23 =	simm.s32 $0x1B8B  }
0xa2: {  	_ =	swait.ge [sflag:s23], $0x1  }
0xa3: {  	[sflag:s23] =	ssyncset.done $0x0  }
0xa4: {  	s25 =	simm.s32 $0x1B8E;
	s24 =	sld [smem:$0x3FFE];
	[sflag:s23] =	ssyncadd.s32 $0xFFFFFFFF  }
0xa5: {  	s26 =	simm.s32 $execute0_lowered;
	[smem:$0x3FD2] =	sst s25  }
0xa6: {  	s5 =	sshll.u32 s26, $0x1;
	_ =	strace $0x80000046;
	[dreg:$0x1] =	wrdreg $0xFFFFFFFF  }
0xa7: {  	s28 =	simm.s32 $_size_execute0_lowered;
	s3 =	sadd.s32 s3, s5;
	[dreg:$0x0] =	wrdreg $0x0  }
0xa8: {  	s5 =	sshll.u32 s28, $0x1;
	[dreg:$0x2] =	wrdreg s3  }
0xa9: {  	[dreg:$0x3] =	wrdreg s5  }
0xaa: {  	[dreg:$0x4] =	wrdreg $0xC0  }
0xab: {  	_ =	task [dreg:s7], $0x5FFFF  }
0xac: {  	[dreg:$0x1] =	wrdreg $0xFFFFFFFF  }
0xad: {  	[dreg:$0x0] =	wrdreg $0x60  }
0xae: {  	[dreg:$0x2] =	wrdreg s24  }
0xaf: {  	[dreg:$0x3] =	wrdreg s2  }
0xb0: {  	[dreg:$0x4] =	wrdreg $0x28800  }
0xb1: {  	[dreg:$0x5] =	wrdreg $0x9  }
0xb2: {  	_ =	task.clear_ibuf [dreg:s7], $0x6FFFF;
	_ =	strace $0x90000046  }
0xb3: {  	s29 =	simm.s32 $0x9;
	_ =	strace $0x80000048  }
0xb4: {  	_ =	swait.ge [sflag:s29], $0x1  }
0xb5: {  	[sflag:s29] =	ssyncadd.s32 $0xFFFFFFFF  }
0xb6: {  	_ =	strace $0x90000048  }
0xb7: {  	_ =	sfence  }
0xb8: {  	s30 =	sld [smem:$0x0];
	_ =	sdelay $0x2  }
0xb9: {  	s31 =	sshll.u32 s1, $0xD;
	s1 =	sshrl.u32 s1, $0x2  }
0xba: {  	s3 =	sand.u32 $0x4000, s31;
	s1 =	sadd.s32 s1, s30  }
0xbb: {  	s0 =	sor.u32 s3, s0;
	s1 =	sshll.u32 s1, $0x11  }
0xbc: {  	s0 =	sor.u32 s1, s0  }
0xbd: {  	s0 =	sadd.s32 $0x8F2B, s0  }
0xbe: {  	[sflag:s0] =	ssyncadd.remote.s32 $0x1  }
0xbf: {  	_ =	sfence.sel $0xFFFF  }
0xc0: {  	[dreg:$0x0] =	wrdreg $0xFFFFFFFF;
	(pc) =	sbr.abs _section_cstart, $3  }
0xc1: {  	[dreg:$0x1] =	wrdreg $0xFFFFFFFF  }
0xc2: {  	_ =	task.clear_ibuf [dreg:s7], $0x2FFFF;
	_ =	strace $0x9FFFFFFF  }
0xc3: {  	(tm) =	ssettm $0x7FFFFFFF  }
tec
execute0_lowered:
.L_overlay_start_1:
0x0: {  	(tag) =	ssettag $0x1  }
0x1: {  	s5 =	rddreg [dreg:$0x0]  }
0x2: {  	s0 =	srdreg.scid;
	s1 =	rddreg [dreg:$0x1]  }
0x3: {  	s8 =	stileid.u32;
	s2 =	rddreg [dreg:$0x2];
	s3 =	simm.s32 $0x0  }
0x4: {  	s11 =	simm.s32 $0x50;
	s4 =	sand.u32 $0x1, s0;
	s6 =	smul.u32 $0x4E20, s8  }
0x5: {  	s12 =	simm.s32 $0x0;
	s0 =	rddreg [dreg:$0x3];
	s7 =	smul.u32 $0x2710, s4  }
0x6: {  	[smem:$0x7FF] =	sst s3;
	p0 =	sne.s32 s8, $0x0;
	s8 =	simm.s32 $0x80  }
0x7: {  	s30 =	smul.u32 $0x28000, s4;
	s9 =	ssub.s32 $0x2, s4;
	s6 =	sadd.s32 s7, s6  }
0x8: {  	_ =	strace $0x80000047;
	s4 =	sadd.s32 $0x15200, s5;
	s6 =	sshrl.u32 s6, $0x3  }
0x9: {  	s31 =	sshrl.u32 s9, $0x1;
	s10 =	sadd.s32 s6, s5;
	s5 =	sadd.s32 s30, s5  }
0xa: {  	s6 =	ssub.s32 s9, s31;
	s9 =	simm.s32 $0x1;
	s5 =	sadd.s32 $0x3D200, s5  }
0xb: {  	s6 =	smax.u32 s6, $0x1;
	s7 =	sadd.s32 $0xB400, s10;
	s10 =	sshrl.u32 @!p0 s2, $0x3  }
.LBB2_1:
0xc: {  	[tilespmem:s8], [sflag:$0x1] =	stream.linear.gather [hbm4b:s1+s3], $0x2800, $0x38;
	[tilespmem:$0x16880] =	vst v63  }
0xd: {  	_ =	swait.ge [sflag:s9], $0x2800  }
0xe: {  	[sflag:s9] =	ssyncset.done $0x0  }
0xf: {  	s13 =	simm.s32 @!p0 $0x1C01;
	[sflag:s9] =	ssyncadd.s32 $0xFFFFD800  }
0x10: {  	[spmem:s10], [sflag:s13] =	dma.local @!p0 [hbm:s4], $0x28000  }
0x11: {  	s13 =	simm.s32 @!p0 $0x1  }
0x12: {  	_ =	swait.ge @!p0 [sflag:s13], $0x28000  }
0x13: {  	[sflag:s13] =	ssyncset.done @!p0 $0x0  }
0x14: {  	[sflag:s13] =	ssyncadd.s32 @!p0 $0xFFFD8000  }
0x15: {  	s31 =	sadd.s32 $0x0, s7;
	[bflag:$0x0] =	sbarrier.arrive $0xFFFF  }
0x16: {  	[tilespmem:s3], [sflag:$0x1] =	stream.linear.gather [hbm4b:s31+s3], $0x50, $0x38;
	[tilespmem:$0x16880] =	vst v63  }
0x17: {  	_ =	swait.ge [sflag:s9], $0x50  }
0x18: {  	[sflag:s9] =	ssyncset.done $0x0  }
0x19: {  	[sflag:s9] =	ssyncadd.s32 $0xFFFFFFB0  }
0x1a: {  	[spmem:s2] =	stream.indirect.scatter.add.f32 [tilespmem:s8], [sflag:$0x1], $0x80, s3, s11, $0xb8;
	[tilespmem:$0x16880] =	vst v63  }
0x1b: {  	_ =	swait.ge [sflag:s9], $0x2800  }
0x1c: {  	s14 =	simm.s32 $0x14;
	s13 =	simm.s32 $0xA;
	[sflag:s9] =	ssyncset.done $0x0  }
.LBB2_2:
0x1d: {  	s15 =	sadd.s32 s13, s7  }
0x1e: {  	[sflag:s9] =	ssyncadd.s32 $0xFFFFD800;
	s13 =	smov.u32 s14;
	s16 =	sadd.s32 $0xA, s14  }
0x1f: {  	[tilespmem:s3], [sflag:$0x1] =	stream.linear.gather [hbm4b:s15+s3], $0x50, $0x38;
	[tilespmem:$0x16880] =	vst v63  }
0x20: {  	p1 =	sne.s32 s14, $0x4D8;
	_ =	swait.ge [sflag:s9], $0x50  }
.Ltmp0:
0x21: {  	[sflag:s9] =	ssyncset.done $0x0;
	(pc) =	sbr.rel @p1 .LBB2_2-.Ltmp0, $4  }
0x22: {  	[sflag:s9] =	ssyncadd.s32 $0xFFFFFFB0  }
0x23: {  	[spmem:s2] =	stream.indirect.scatter.add.f32 [tilespmem:s8], [sflag:$0x1], $0x80, s3, s11, $0xb8;
	[tilespmem:$0x16880] =	vst v63  }
0x24: {  	_ =	swait.ge [sflag:s9], $0x2800  }
0x25: {  	s14 =	smov.u32 s16;
	[sflag:s9] =	ssyncset.done $0x0  }
0x26: {  	s13 =	sadd.s32 s13, s7;
	[sflag:s9] =	ssyncadd.s32 $0xFFFFD800  }
0x27: {  	[tilespmem:s3], [sflag:$0x1] =	stream.linear.gather [hbm4b:s13+s3], $0x50, $0x38;
	[tilespmem:$0x16880] =	vst v63  }
0x28: {  	_ =	swait.ge [sflag:s9], $0x50  }
0x29: {  	[sflag:s9] =	ssyncset.done $0x0  }
0x2a: {  	[sflag:s9] =	ssyncadd.s32 $0xFFFFFFB0  }
0x2b: {  	[spmem:s2] =	stream.indirect.scatter.add.f32 [tilespmem:s8], [sflag:$0x1], $0x80, s3, s11, $0xb8;
	[tilespmem:$0x16880] =	vst v63  }
0x2c: {  	_ =	swait.ge [sflag:s9], $0x2800  }
0x2d: {  	[sflag:s9] =	ssyncset.done $0x0  }
0x2e: {  	s12 =	sadd.s32 $0x1, s12;
	[sflag:s9] =	ssyncadd.s32 $0xFFFFD800  }
0x2f: {  	s13 =	simm.s32 @!p0 $0x1C01;
	p1 =	sne.s32 s12, s6;
	[bflag:$0x0] =	sbarrier.arrive $0xFFFF  }
0x30: {  	[hbm:s5], [sflag:s13] =	dma.local @!p0 [spmem:s10], $0x28000  }
.Ltmp1:
0x31: {  	_ = 	snop;
	(pc) =	sbr.rel @p1 .LBB2_1-.Ltmp1, $4  }
0x32: {  	s13 =	simm.s32 @!p0 $0x1  }
0x33: {  	_ =	swait.ge @!p0 [sflag:s13], $0x28000  }
0x34: {  	[sflag:s13] =	ssyncset.done @!p0 $0x0  }
0x35: {  	[sflag:s13] =	ssyncadd.s32 @!p0 $0xFFFD8000  }
0x36: {  	_ =	sfence.sel $0x180000  }
0x37: {  	[bflag:$0x0] =	sbarrier.arrive $0xFFFF  }
0x38: {  	_ =	strace $0x90000047  }
0x39: {  	s0 =	sadd.s32 @!p0 $0x100000, s0;
	[bflag:$0x2] =	sbarrier.arrive $0xFFFF  }
0x3a: {  	[sflag:s0] =	ssyncadd.tile.s32 @!p0 $0x1;
	_ =	shalt  }
.Lfunc_end2:
_tile_overlayer_lowered:
.L_overlay_start_2:
0x3b: {  	(tag) =	ssettag $0x2  }
0x3c: {  	s0 =	rddreg [dreg:$0x0];
	s2 =	stileid.u32  }
0x3d: {  	s1 =	rddreg [dreg:$0x1];
	p0 =	sne.s32 s2, $0x0  }
0x3e: {  	s3 =	rddreg [dreg:$0x2];
	[bflag:$0x3] =	sbarrier.arrive $0xFFFF;
	s2 =	simm.s32 @!p0 $0x1C01  }
0x3f: {  	[timem:s3], [sflag:s2] =	dma.local @!p0 [hbm:s0], s1  }
0x40: {  	s0 =	simm.s32 @!p0 $0x1  }
0x41: {  	_ =	swait.ge @!p0 [sflag:s0], s1  }
0x42: {  	s1 =	ssub.s32 @!p0 $0x0, s1;
	[sflag:s0] =	ssyncset.done @!p0 $0x0  }
0x43: {  	[sflag:s0] =	ssyncadd.s32 @!p0 s1  }
0x44: {  	[bflag:$0x3] =	sbarrier.arrive $0xFFFF  }
0x45: {  	_ =	shalt  }

// kernel: kernel.9.cloned.1.call-start
scs
__scs_entry_jumppad:
0x0: {  	(pc) =	sbr.rel $0x88, $3  }
0x1: {  	(tag) =	ssettag $0x0;
	lr =	simm.s32 $0x1  }
0x2: {  	[smem:$0x3F9B] =	sst lr;
	_ =	strace $0xD0000000  }
0x3: {  	_ = 	snop  }
0x4: {  	_ = 	snop  }
0x5: {  	_ = 	snop  }
0x6: {  	_ = 	snop  }
0x7: {  	_ = 	snop  }
__scs_overlays_trampoline_lowered:
0x8: {  	[smem:$0x3FAA] =	sst s0  }
0x9: {  	[smem:$0x3FAB] =	sst s1  }
0xa: {  	[smem:$0x3FAC] =	sst s2  }
0xb: {  	[smem:$0x3FAD] =	sst s3  }
0xc: {  	[smem:$0x3FAE] =	sst s4  }
0xd: {  	[smem:$0x3FAF] =	sst s5  }
0xe: {  	[smem:$0x3FB0] =	sst s6  }
0xf: {  	[smem:$0x3FB1] =	sst s7  }
0x10: {  	[smem:$0x3FB2] =	sst s8  }
0x11: {  	[smem:$0x3FB3] =	sst s9;
	s0 =	simm.s32 @!p0 $0x0  }
0x12: {  	s1 =	sld [smem:$0x3F99];
	s0 =	simm.s32 @p0 $0x1  }
0x13: {  	[smem:$0x3FB4] =	sst s0;
	s0 =	simm.s32 @!p1 $0x0  }
0x14: {  	s2 =	sld [smem:$0x3F98];
	s0 =	simm.s32 @p1 $0x1  }
0x15: {  	[smem:$0x3FB5] =	sst s0;
	s0 =	simm.s32 @!p2 $0x0  }
0x16: {  	s3 =	sld [smem:$0x3FDB];
	s0 =	simm.s32 @p2 $0x1  }
0x17: {  	s4 =	simm.s32 $0x1BF5;
	[smem:$0x3FB7] =	sst s0  }
0x18: {  	s0 =	sld [smem:$0x3F9A];
	_ =	swait.ge [sflag:s4], $0x0  }
0x19: {  	s7 =	sld [smem:$0x3F9B]  }
0x1a: {  	s8 =	sadd.s32 $0xFFFFE003, lr  }
0x1b: {  	s9 =	sadd.s32 $0xFFFFFEF7, lr;
	s5 =	simm.s32 $0xFFFFFFFF;
	p2 =	slt.u32 s8, $0xFFFFF086  }
0x1c: {  	p1 =	slt.u32 s9, $0xF7A;
	s5 =	simm.s32 @!p2 $0x0  }
0x1d: {  	s5 =	simm.s32 @p1 $0x1;
	p0 =	seq.s32 s7, s2  }
0x1e: {  	s7 =	smul.u32 @!p0 $0xF7A, s2;
	p2 =	seq.s32 @!p0 s5, $0x0  }
0x1f: {  	s9 =	smul.u32 $0xF7A, s1;
	s8 =	simm.s32 @!p0 $0x1BF5;
	p2 =	por !p2, p0  }
0x20: {  	[sflag:s8] =	ssyncset.s32 @!p0 $0xFFFFF086;
	s6 =	sadd.s32 @!p0 s3, s7;
	s7 =	simm.s32 @!p0 $0x108  }
0x21: {  	s3 =	sadd.s32 s3, s9;
	s6 =	sadd.s32 @!p0 $0x88, s6;
	s7 =	simm.s32 @p2 $0x1082  }
0x22: {  	[simem:s7], [sflag:s8] =	dma.local @!p0 [hbm:s6], $0xF7A  }
0x23: {  	s9 =	sor.u32 $0xD0000000, s2;
	s6 =	simm.s32 $0x108;
	_ =	swait.ge @!p0 [sflag:s8], $0x0  }
0x24: {  	s3 =	sadd.s32 $0x88, s3;
	s6 =	simm.s32 @!p1 $0x1082;
	[sflag:s4] =	ssyncset.s32 $0xFFFFF086  }
0x25: {  	[simem:s6], [sflag:s4] =	dma.local [hbm:s3], $0xF7A  }
0x26: {  	[smem:$0x3F9B] =	sst s1;
	(tag) =	ssettag s2;
	_ =	strace s9  }
0x27: {  	s1 =	sld [smem:$0x3FAB]  }
0x28: {  	s2 =	sld [smem:$0x3FAC]  }
0x29: {  	s4 =	sld [smem:$0x3FAE]  }
0x2a: {  	p0 =	seq.s32 s5, $0x0;
	s5 =	sld [smem:$0x3FAF]  }
0x2b: {  	s6 =	sld [smem:$0x3FB0]  }
0x2c: {  	s7 =	sld [smem:$0x3FB1]  }
0x2d: {  	s3 =	simm.s32 $0x108;
	s8 =	sld [smem:$0x3FB2]  }
0x2e: {  	s3 =	simm.s32 @!p0 $0x1082;
	s9 =	sld [smem:$0x3FB3]  }
0x2f: {  	lr =	sadd.s32 s0, s3;
	s0 =	sld [smem:$0x3FAA]  }
0x30: {  	s3 =	sld [smem:$0x3FAD]  }
0x31: {  	[smem:$0x3FB6] =	sst s10  }
0x32: {  	s10 =	sld [smem:$0x3FB4];
	_ =	sdelay $0x3  }
0x33: {  	p0 =	seq.s32 s10, $0x1;
	s10 =	sld [smem:$0x3FB6];
	_ =	sdelay $0x3  }
0x34: {  	[smem:$0x3FB6] =	sst s10  }
0x35: {  	s10 =	sld [smem:$0x3FB5];
	_ =	sdelay $0x3  }
0x36: {  	p1 =	seq.s32 s10, $0x1;
	s10 =	sld [smem:$0x3FB6];
	_ =	sdelay $0x3  }
0x37: {  	[smem:$0x3FB6] =	sst s10  }
0x38: {  	s10 =	sld [smem:$0x3FB7]  }
0x39: {  	_ = 	snop;
	(pc) =	sbr.ind lr, $3  }
0x3a: {  	_ = 	snop  }
0x3b: {  	_ = 	snop  }
0x3c: {  	p2 =	seq.s32 s10, $0x1;
	s10 =	sld [smem:$0x3FB6]  }
0x3d: {  	_ =	shalt  }
0x3e: {  	_ =	shalt  }
0x3f: {  	_ =	shalt  }
0x40: {  	_ =	shalt  }
0x41: {  	_ =	shalt  }
0x42: {  	_ =	shalt  }
0x43: {  	_ =	shalt  }
0x44: {  	_ =	shalt  }
0x45: {  	_ =	shalt  }
0x46: {  	_ =	shalt  }
0x47: {  	_ =	shalt  }
0x48: {  	_ =	shalt  }
0x49: {  	_ =	shalt  }
0x4a: {  	_ =	shalt  }
0x4b: {  	_ =	shalt  }
0x4c: {  	_ =	shalt  }
0x4d: {  	_ =	shalt  }
0x4e: {  	_ =	shalt  }
0x4f: {  	_ =	shalt  }
0x50: {  	_ =	shalt  }
0x51: {  	_ =	shalt  }
0x52: {  	_ =	shalt  }
0x53: {  	_ =	shalt  }
0x54: {  	_ =	shalt  }
0x55: {  	_ =	shalt  }
0x56: {  	_ =	shalt  }
0x57: {  	_ =	shalt  }
0x58: {  	_ =	shalt  }
0x59: {  	_ =	shalt  }
0x5a: {  	_ =	shalt  }
0x5b: {  	_ =	shalt  }
0x5c: {  	_ =	shalt  }
0x5d: {  	_ =	shalt  }
0x5e: {  	_ =	shalt  }
0x5f: {  	_ =	shalt  }
0x60: {  	_ =	shalt  }
0x61: {  	_ =	shalt  }
0x62: {  	_ =	shalt  }
0x63: {  	_ =	shalt  }
0x64: {  	_ =	shalt  }
0x65: {  	_ =	shalt  }
0x66: {  	_ =	shalt  }
0x67: {  	_ =	shalt  }
0x68: {  	_ =	shalt  }
0x69: {  	_ =	shalt  }
0x6a: {  	_ =	shalt  }
0x6b: {  	_ =	shalt  }
0x6c: {  	_ =	shalt  }
0x6d: {  	_ =	shalt  }
0x6e: {  	_ =	shalt  }
0x6f: {  	_ =	shalt  }
0x70: {  	_ =	shalt  }
0x71: {  	_ =	shalt  }
0x72: {  	_ =	shalt  }
0x73: {  	_ =	shalt  }
0x74: {  	_ =	shalt  }
0x75: {  	_ =	shalt  }
0x76: {  	_ =	shalt  }
0x77: {  	_ =	shalt  }
0x78: {  	_ =	shalt  }
0x79: {  	_ =	shalt  }
0x7a: {  	_ =	shalt  }
0x7b: {  	_ =	shalt  }
0x7c: {  	_ =	shalt  }
0x7d: {  	_ =	shalt  }
0x7e: {  	_ =	shalt  }
0x7f: {  	_ =	shalt  }
0x80: {  	_ =	shalt  }
0x81: {  	_ =	shalt  }
0x82: {  	_ =	shalt  }
0x83: {  	_ =	shalt  }
0x84: {  	_ =	shalt  }
0x85: {  	_ =	shalt  }
0x86: {  	_ =	shalt  }
0x87: {  	_ =	shalt  }
.Lfunc_end0:
.L_simem_size_0:
called_computation.1_lowered:
.L_overlay_start_0:
0x88: {  	s2 =	sld [smem:$0x3FD9]  }
0x89: {  	s3 =	sld [smem:$0x3FFE];
	_ =	sdelay $0x1  }
0x8a: {  	s1 =	srdreg.scid  }
0x8b: {  	s0 =	sand.u32 $0x1, s1  }
0x8c: {  	s17 =	sshll.u32 s0, $0xA;
	s2 =	sadd.s32 s3, s2  }
0x8d: {  	s2 =	sadd.s32 s2, s17  }
0x8e: {  	[smem:$0x3FC2] =	sst s2  }
0x8f: {  	_ = 	snop  }
0x90: {  	s2 =	sld [smem:$0x3FD0];
	(tm) =	ssettm $0x1  }
0x91: {  	s18 =	sld [smem:$0x3FFB];
	_ =	sdelay $0x3  }
0x92: {  	_ =	strace s18  }
0x93: {  	s3 =	sld [smem:$0x3FFC];
	_ =	sdelay $0x3  }
0x94: {  	_ =	strace s3  }
0x95: {  	s3 =	sld [smem:$0x3FFD];
	_ =	sdelay $0x3  }
0x96: {  	_ =	strace s3  }
0x97: {  	_ =	strace $0x8FFFFFFF  }
0x98: {  	s19 =	sld [smem:$0x3FDB];
	_ =	sdelay $0x1  }
0x99: {  	s4 =	simm.s32 $_scs_section_size  }
0x9a: {  	s5 =	simm.s32 $_size__tile_overlayer_lowered;
	s6 =	simm.s32 $_tile_overlayer_lowered  }
0x9b: {  	s22 =	simm.s32 $0x1BFF;
	s21 =	sshll.u32 s6, $0x1;
	s3 =	sadd.s32 s4, s19  }
0x9c: {  	s7 =	simm.s32 $0x0;
	s20 =	sshll.u32 s5, $0x1;
	s5 =	sadd.s32 s21, s3  }
0x9d: {  	[timem:s7], [sflag:s22] =	dma.local [hbm:s5], s20  }
0x9e: {  	_ =	swait.ge [sflag:s22], s20  }
0x9f: {  	s4 =	ssub.s32 $0x0, s20;
	[sflag:s22] =	ssyncset.done $0x0  }
0xa0: {  	[sflag:s22] =	ssyncadd.s32 s4;
	_ =	sdelay $0x1  }
0xa1: {  	s23 =	simm.s32 $0x1B8B  }
0xa2: {  	_ =	swait.ge [sflag:s23], $0x1  }
0xa3: {  	[sflag:s23] =	ssyncset.done $0x0  }
0xa4: {  	s25 =	simm.s32 $0x1B8E;
	s24 =	sld [smem:$0x3FFE];
	[sflag:s23] =	ssyncadd.s32 $0xFFFFFFFF  }
0xa5: {  	s26 =	simm.s32 $execute0_lowered;
	[smem:$0x3FD2] =	sst s25  }
0xa6: {  	s5 =	sshll.u32 s26, $0x1;
	_ =	strace $0x80000049;
	[dreg:$0x1] =	wrdreg $0xFFFFFFFF  }
0xa7: {  	s28 =	simm.s32 $_size_execute0_lowered;
	s3 =	sadd.s32 s3, s5;
	[dreg:$0x0] =	wrdreg $0x0  }
0xa8: {  	s5 =	sshll.u32 s28, $0x1;
	[dreg:$0x2] =	wrdreg s3  }
0xa9: {  	[dreg:$0x3] =	wrdreg s5  }
0xaa: {  	[dreg:$0x4] =	wrdreg $0xC0  }
0xab: {  	_ =	task [dreg:s7], $0x5FFFF  }
0xac: {  	[dreg:$0x1] =	wrdreg $0xFFFFFFFF  }
0xad: {  	[dreg:$0x0] =	wrdreg $0x60  }
0xae: {  	[dreg:$0x2] =	wrdreg s2  }
0xaf: {  	[dreg:$0x3] =	wrdreg s24  }
0xb0: {  	[dreg:$0x4] =	wrdreg $0x29000  }
0xb1: {  	[dreg:$0x5] =	wrdreg $0x9  }
0xb2: {  	_ =	task.clear_ibuf [dreg:s7], $0x6FFFF;
	_ =	strace $0x90000049  }
0xb3: {  	s29 =	simm.s32 $0x9;
	_ =	strace $0x8000004B  }
0xb4: {  	_ =	swait.ge [sflag:s29], $0x1  }
0xb5: {  	[sflag:s29] =	ssyncadd.s32 $0xFFFFFFFF  }
0xb6: {  	_ =	strace $0x9000004B  }
0xb7: {  	_ =	sfence  }
0xb8: {  	s30 =	sld [smem:$0x0];
	_ =	sdelay $0x2  }
0xb9: {  	s31 =	sshll.u32 s1, $0xD;
	s1 =	sshrl.u32 s1, $0x2  }
0xba: {  	s3 =	sand.u32 $0x4000, s31;
	s1 =	sadd.s32 s1, s30  }
0xbb: {  	s0 =	sor.u32 s3, s0;
	s1 =	sshll.u32 s1, $0x11  }
0xbc: {  	s0 =	sor.u32 s1, s0  }
0xbd: {  	s0 =	sadd.s32 $0x8F2B, s0  }
0xbe: {  	[sflag:s0] =	ssyncadd.remote.s32 $0x1  }
0xbf: {  	_ =	sfence.sel $0xFFFF  }
0xc0: {  	[dreg:$0x0] =	wrdreg $0xFFFFFFFF;
	(pc) =	sbr.abs _section_cstart, $3  }
0xc1: {  	[dreg:$0x1] =	wrdreg $0xFFFFFFFF  }
0xc2: {  	_ =	task.clear_ibuf [dreg:s7], $0x2FFFF;
	_ =	strace $0x9FFFFFFF  }
0xc3: {  	(tm) =	ssettm $0x7FFFFFFF  }
tec
execute0_lowered:
.L_overlay_start_1:
0x0: {  	(tag) =	ssettag $0x1  }
0x1: {  	s0 =	rddreg [dreg:$0x0]  }
0x2: {  	s1 =	srdreg.scid;
	s5 =	rddreg [dreg:$0x1]  }
0x3: {  	s7 =	stileid.u32;
	s2 =	rddreg [dreg:$0x2];
	s3 =	simm.s32 $0x0  }
0x4: {  	s11 =	simm.s32 $0x50;
	s12 =	simm.s32 $0x100;
	s13 =	simm.s32 $0x1  }
0x5: {  	s14 =	simm.s32 $0x80;
	s4 =	sand.u32 $0x1, s1;
	s6 =	smul.u32 $0x4E20, s7  }
0x6: {  	s15 =	simm.s32 $0x0;
	s1 =	rddreg [dreg:$0x3];
	s8 =	smul.u32 $0x2710, s4  }
0x7: {  	[smem:$0x7FF] =	sst s3;
	p0 =	sne.s32 s7, $0x0;
	s30 =	smul.u32 $0x28000, s4  }
0x8: {  	s9 =	ssub.s32 $0x2, s4;
	_ =	strace $0x8000004A;
	s6 =	sadd.s32 s8, s6  }
0x9: {  	s4 =	sadd.s32 $0x15200, s5;
	s31 =	sshrl.u32 s9, $0x1;
	s6 =	sshrl.u32 s6, $0x3  }
0xa: {  	s10 =	sadd.s32 s6, s5;
	s5 =	sadd.s32 s30, s5;
	s6 =	ssub.s32 s9, s31  }
0xb: {  	s9 =	sshrl.u32 @!p0 s2, $0x3;
	s5 =	sadd.s32 $0x8B400, s5;
	s6 =	smax.u32 s6, $0x1  }
0xc: {  	s7 =	sadd.s32 $0xB400, s10;
	s8 =	sadd.s32 $0x1600, s10;
	s10 =	simm.s32 $0x2  }
.LBB2_1:
0xd: {  	s16 =	simm.s32 @!p0 $0x1C02  }
0xe: {  	[spmem:s9], [sflag:s16] =	dma.local @!p0 [hbm:s4], $0x28000  }
0xf: {  	s16 =	simm.s32 @!p0 $0x2  }
0x10: {  	_ =	swait.ge @!p0 [sflag:s16], $0x28000  }
0x11: {  	[sflag:s16] =	ssyncset.done @!p0 $0x0  }
0x12: {  	[sflag:s16] =	ssyncadd.s32 @!p0 $0xFFFD8000  }
0x13: {  	s30 =	sadd.s32 $0x0, s8;
	[bflag:$0x0] =	sbarrier.arrive $0xFFFF  }
0x14: {  	[tilespmem:s3], [sflag:$0x2] =	stream.linear.gather [hbm4b:s30+s3], $0x50, $0x38;
	[tilespmem:$0x16900] =	vst v63  }
0x15: {  	_ =	swait.ge [sflag:s10], $0x50  }
0x16: {  	[sflag:s10] =	ssyncset.done $0x0  }
0x17: {  	[sflag:s10] =	ssyncadd.s32 $0xFFFFFFB0  }
0x18: {  	[tilespmem:s12], [sflag:$0x1] =	stream.indirect.gather [hbm4b:s0+s11], $0x80, s3, s11, $0xb8;
	[tilespmem:$0x16900] =	vst v63  }
0x19: {  	_ =	swait.ge [sflag:s13], $0x2800  }
0x1a: {  	[sflag:s13] =	ssyncset.done $0x0  }
0x1b: {  	s31 =	sadd.s32 $0x0, s7;
	[sflag:s13] =	ssyncadd.s32 $0xFFFFD800  }
0x1c: {  	[tilespmem:s14], [sflag:$0x2] =	stream.linear.gather [hbm4b:s31+s3], $0x50, $0x38;
	[tilespmem:$0x16900] =	vst v63  }
0x1d: {  	_ =	swait.ge [sflag:s10], $0x50  }
0x1e: {  	[sflag:s10] =	ssyncset.done $0x0  }
0x1f: {  	[sflag:s10] =	ssyncadd.s32 $0xFFFFFFB0  }
0x20: {  	[spmem:s2] =	stream.indirect.scatter.add.f32 [tilespmem:s12], [sflag:$0x2], $0x80, s14, s11, $0xb8;
	[tilespmem:$0x16900] =	vst v63  }
0x21: {  	_ =	swait.ge [sflag:s10], $0x2800  }
0x22: {  	s17 =	simm.s32 $0x14;
	s16 =	simm.s32 $0xA;
	[sflag:s10] =	ssyncset.done $0x0  }
.LBB2_2:
0x23: {  	s18 =	sadd.s32 s16, s8  }
0x24: {  	[sflag:s10] =	ssyncadd.s32 $0xFFFFD800;
	s19 =	smov.u32 s17;
	s20 =	sadd.s32 $0xA, s17  }
0x25: {  	[tilespmem:s3], [sflag:$0x2] =	stream.linear.gather [hbm4b:s18+s3], $0x50, $0x38;
	[tilespmem:$0x16900] =	vst v63  }
0x26: {  	p1 =	sne.s32 s17, $0x4D8;
	_ =	swait.ge [sflag:s10], $0x50  }
0x27: {  	[sflag:s10] =	ssyncset.done $0x0  }
0x28: {  	[sflag:s10] =	ssyncadd.s32 $0xFFFFFFB0  }
0x29: {  	[tilespmem:s12], [sflag:$0x1] =	stream.indirect.gather [hbm4b:s0+s11], $0x80, s3, s11, $0xb8;
	[tilespmem:$0x16900] =	vst v63  }
0x2a: {  	_ =	swait.ge [sflag:s13], $0x2800  }
0x2b: {  	[sflag:s13] =	ssyncset.done $0x0  }
0x2c: {  	s17 =	sadd.s32 s16, s7;
	s16 =	smov.u32 s19;
	[sflag:s13] =	ssyncadd.s32 $0xFFFFD800  }
0x2d: {  	[tilespmem:s14], [sflag:$0x2] =	stream.linear.gather [hbm4b:s17+s3], $0x50, $0x38;
	[tilespmem:$0x16900] =	vst v63  }
0x2e: {  	_ =	swait.ge [sflag:s10], $0x50  }
.Ltmp0:
0x2f: {  	[sflag:s10] =	ssyncset.done $0x0;
	(pc) =	sbr.rel @p1 .LBB2_2-.Ltmp0, $4  }
0x30: {  	[sflag:s10] =	ssyncadd.s32 $0xFFFFFFB0  }
0x31: {  	[spmem:s2] =	stream.indirect.scatter.add.f32 [tilespmem:s12], [sflag:$0x2], $0x80, s14, s11, $0xb8;
	[tilespmem:$0x16900] =	vst v63  }
0x32: {  	_ =	swait.ge [sflag:s10], $0x2800  }
0x33: {  	s17 =	smov.u32 s20;
	[sflag:s10] =	ssyncset.done $0x0  }
0x34: {  	s17 =	sadd.s32 s16, s8;
	[sflag:s10] =	ssyncadd.s32 $0xFFFFD800  }
0x35: {  	[tilespmem:s3], [sflag:$0x2] =	stream.linear.gather [hbm4b:s17+s3], $0x50, $0x38;
	[tilespmem:$0x16900] =	vst v63  }
0x36: {  	_ =	swait.ge [sflag:s10], $0x50  }
0x37: {  	[sflag:s10] =	ssyncset.done $0x0  }
0x38: {  	[sflag:s10] =	ssyncadd.s32 $0xFFFFFFB0  }
0x39: {  	[tilespmem:s12], [sflag:$0x1] =	stream.indirect.gather [hbm4b:s0+s11], $0x80, s3, s11, $0xb8;
	[tilespmem:$0x16900] =	vst v63  }
0x3a: {  	_ =	swait.ge [sflag:s13], $0x2800  }
0x3b: {  	[sflag:s13] =	ssyncset.done $0x0  }
0x3c: {  	s31 =	sadd.s32 s16, s7;
	[sflag:s13] =	ssyncadd.s32 $0xFFFFD800  }
0x3d: {  	[tilespmem:s14], [sflag:$0x2] =	stream.linear.gather [hbm4b:s31+s3], $0x50, $0x38;
	[tilespmem:$0x16900] =	vst v63  }
0x3e: {  	_ =	swait.ge [sflag:s10], $0x50  }
0x3f: {  	[sflag:s10] =	ssyncset.done $0x0  }
0x40: {  	[sflag:s10] =	ssyncadd.s32 $0xFFFFFFB0  }
0x41: {  	[spmem:s2] =	stream.indirect.scatter.add.f32 [tilespmem:s12], [sflag:$0x2], $0x80, s14, s11, $0xb8;
	[tilespmem:$0x16900] =	vst v63  }
0x42: {  	_ =	swait.ge [sflag:s10], $0x2800  }
0x43: {  	[sflag:s10] =	ssyncset.done $0x0  }
0x44: {  	s15 =	sadd.s32 $0x1, s15;
	[sflag:s10] =	ssyncadd.s32 $0xFFFFD800  }
0x45: {  	s16 =	simm.s32 @!p0 $0x1C02;
	p1 =	sne.s32 s15, s6;
	[bflag:$0x0] =	sbarrier.arrive $0xFFFF  }
0x46: {  	[hbm:s5], [sflag:s16] =	dma.local @!p0 [spmem:s9], $0x28000  }
.Ltmp1:
0x47: {  	_ = 	snop;
	(pc) =	sbr.rel @p1 .LBB2_1-.Ltmp1, $4  }
0x48: {  	s16 =	simm.s32 @!p0 $0x2  }
0x49: {  	_ =	swait.ge @!p0 [sflag:s16], $0x28000  }
0x4a: {  	[sflag:s16] =	ssyncset.done @!p0 $0x0  }
0x4b: {  	[sflag:s16] =	ssyncadd.s32 @!p0 $0xFFFD8000  }
0x4c: {  	_ =	sfence.sel $0x180000  }
0x4d: {  	[bflag:$0x0] =	sbarrier.arrive $0xFFFF  }
0x4e: {  	_ =	strace $0x9000004A  }
0x4f: {  	s0 =	sadd.s32 @!p0 $0x100000, s1;
	[bflag:$0x2] =	sbarrier.arrive $0xFFFF  }
0x50: {  	[sflag:s0] =	ssyncadd.tile.s32 @!p0 $0x1;
	_ =	shalt  }
.Lfunc_end2:
_tile_overlayer_lowered:
.L_overlay_start_2:
0x51: {  	(tag) =	ssettag $0x2  }
0x52: {  	s0 =	rddreg [dreg:$0x0];
	s2 =	stileid.u32  }
0x53: {  	s1 =	rddreg [dreg:$0x1];
	p0 =	sne.s32 s2, $0x0  }
0x54: {  	s3 =	rddreg [dreg:$0x2];
	[bflag:$0x3] =	sbarrier.arrive $0xFFFF;
	s2 =	simm.s32 @!p0 $0x1C02  }
0x55: {  	[timem:s3], [sflag:s2] =	dma.local @!p0 [hbm:s0], s1  }
0x56: {  	s0 =	simm.s32 @!p0 $0x2  }
0x57: {  	_ =	swait.ge @!p0 [sflag:s0], s1  }
0x58: {  	s1 =	ssub.s32 @!p0 $0x0, s1;
	[sflag:s0] =	ssyncset.done @!p0 $0x0  }
0x59: {  	[sflag:s0] =	ssyncadd.s32 @!p0 s1  }
0x5a: {  	[bflag:$0x3] =	sbarrier.arrive $0xFFFF  }
0x5b: {  	_ =	shalt  }

</sc_bundles>
